<compile_context>
chip_gen: v7x
topology: tpu7x:2x2x1
jax: 0.10.2.dev20260603
libtpu: 0.0.44.dev20260713+nightly
codegen_flags: <defaults>
</compile_context>

<pallas_src>
import functools

import jax
import jax.numpy as jnp
from jax import lax
from jax.experimental import pallas as pl
from jax.experimental.pallas import tpu as pltpu
from jax.experimental.pallas import tpu_sc as plsc

_N = 33554432
_NUM_WORKERS = 32
_CH = 16384
_NB = 2

_M_TC = 20 * 1024 * 1024
_N_SC = _N - _M_TC
_PER_W = _N_SC // _NUM_WORKERS
_NOUTER = _PER_W // (_CH * _NB)
_TC_BLK = 2097152
_TC_GRID = _M_TC // _TC_BLK

_mesh = plsc.VectorSubcoreMesh(core_axis_name="c", subcore_axis_name="s")


@functools.partial(
    pl.kernel,
    mesh=_mesh,
    out_type=jax.ShapeDtypeStruct((_N_SC,), jnp.int32),
    scratch_types=[
        pltpu.VMEM((_NB, _CH), jnp.float32),
        pltpu.VMEM((_NB, _CH), jnp.int32),
        pltpu.SemaphoreType.DMA,
        pltpu.SemaphoreType.DMA,
        pltpu.SemaphoreType.DMA,
        pltpu.SemaphoreType.DMA,
    ],
)
def _discretize_sc(x_hbm, o_hbm, in_v, out_v, is0, is1, os0, os1):
    isems = (is0, is1)
    osems = (os0, os1)
    wid = lax.axis_index("s") * 2 + lax.axis_index("c")
    base = _M_TC + wid * _PER_W
    obase = wid * _PER_W

    for b in range(_NB):
        pltpu.async_copy(
            x_hbm.at[pl.ds(base + b * _CH, _CH)], in_v.at[b], isems[b]
        )

    def outer(g2, _):
        for b in range(_NB):
            coff = (g2 * _NB + b) * _CH
            pltpu.make_async_copy(
                x_hbm.at[pl.ds(base + coff, _CH)], in_v.at[b], isems[b]
            ).wait()

            @pl.when(g2 > 0)
            def _wait_out():
                pltpu.make_async_copy(
                    out_v.at[b], o_hbm.at[pl.ds(obase + coff, _CH)], osems[b]
                ).wait()

            @plsc.parallel_loop(0, _CH, step=16, unroll=8)
            def _compute(i):
                x = in_v[b, pl.ds(i, 16)]
                y = x * 128.0
                y = jnp.minimum(jnp.maximum(y, -128.0), 127.0)
                t = y.astype(jnp.int32)
                f = t.astype(jnp.float32)
                out_v[b, pl.ds(i, 16)] = jnp.where(y < f, t - 1, t) + 128

            pltpu.async_copy(
                out_v.at[b], o_hbm.at[pl.ds(obase + coff, _CH)], osems[b]
            )

            @pl.when(g2 < _NOUTER - 1)
            def _next_in():
                pltpu.async_copy(
                    x_hbm.at[pl.ds(base + coff + _NB * _CH, _CH)],
                    in_v.at[b],
                    isems[b],
                )

        return _

    lax.fori_loop(0, _NOUTER, outer, None)
    for b in range(_NB):
        pltpu.make_async_copy(
            out_v.at[b], o_hbm.at[pl.ds(obase, _CH)], osems[b]
        ).wait()


def _tc_body(x_ref, o_ref):
    y = x_ref[...] * 128.0
    y = jnp.minimum(jnp.maximum(y, -128.0), 127.0)
    o_ref[...] = (jnp.floor(y) + 128.0).astype(jnp.int32)


_discretize_tc = pl.pallas_call(
    _tc_body,
    grid=(_TC_GRID,),
    in_specs=[pl.BlockSpec((_TC_BLK,), lambda i: (i,))],
    out_specs=pl.BlockSpec((_TC_BLK,), lambda i: (i,)),
    out_shape=jax.ShapeDtypeStruct((_N,), jnp.int32),
)


def kernel(actions):
    tc_full = _discretize_tc(actions)
    sc_out = _discretize_sc(actions)
    return lax.dynamic_update_slice(tc_full, sc_out, (_M_TC,))

# --- scband reference (transcript-rebuilt; emitter-appended) ---
"""Pipeline reference for scband-discretize-20942260535893 (READ-ONLY COPY).

The authoritative reference and input builder live on the scoring server;
editing this copy changes nothing except your own understanding.
"""

import jax, jax.numpy as jnp
import numpy as np

LOW = -1.0
HIGH = 1.0
BINS = 256
N = 33554432


def setup_inputs(seed: int = 0) -> dict:
    key = jax.random.key(seed)
    actions = jax.random.normal(key, (N,), dtype=jnp.float32)
    return {"actions": actions}


def reference(actions):
    # Faithful translation of Discretize.get_bins:
    #   grid = np.linspace(low, high, num=bins, endpoint=False)[1:]
    #   bins = np.digitize(actions, grid)
    grid = jnp.linspace(LOW, HIGH, num=BINS, endpoint=False, dtype=jnp.float32)[1:]
    bin_ids = jnp.digitize(actions, grid)
    return bin_ids

if __name__ == "__main__":
    import jax
    _d = setup_inputs()
    print(jax.jit(kernel)(*tuple(_d.values())))

</pallas_src>

<mosaic_0001>
#map = affine_map<(d0, d1) -> (0)>
module attributes {stable_mosaic.version = 14 : i64} {
  func.func @_discretize_sc(%arg0: i32, %arg1: i32, %arg2: memref<33554432xf32, #tpu.memory_space<hbm>>, %arg3: memref<12582912xi32, #tpu.memory_space<hbm>>, %arg4: memref<2x16384xf32, #tpu.memory_space<vmem>>, %arg5: memref<2x16384xi32, #tpu.memory_space<vmem>>, %arg6: memref<!tpu.dma_semaphore, #tpu.memory_space<semaphore_mem>>, %arg7: memref<!tpu.dma_semaphore, #tpu.memory_space<semaphore_mem>>, %arg8: memref<!tpu.dma_semaphore, #tpu.memory_space<semaphore_mem>>, %arg9: memref<!tpu.dma_semaphore, #tpu.memory_space<semaphore_mem>>) attributes {dimension_semantics = [#tpu.dimension_semantics<core_parallel>, #tpu.dimension_semantics<subcore_parallel>], iteration_bounds = array<i64: 2, 16>, scalar_prefetch = 0 : i64, scratch_operands = 6 : i64, tpu.core_type = #tpu.core_type<sc_vector_subcore>, window_params = [{transform_indices = #map}, {transform_indices = #map}]} {
    %mul3A = arith.constant 2 : i32
    %mul3A_0 = arith.muli %arg1, %mul3A : i32
    %add3A = arith.addi %mul3A_0, %arg0 : i32
    %mul3A_1 = arith.constant 393216 : i32
    %mul3A_2 = arith.muli %add3A, %mul3A_1 : i32
    %add3A_3 = arith.constant 20971520 : i32
    %add3A_4 = arith.addi %add3A_3, %mul3A_2 : i32
    %mul3A_5 = arith.constant 393216 : i32
    %mul3A_6 = arith.muli %add3A, %mul3A_5 : i32
    %add3A_7 = arith.constant 0 : i32
    %add3A_8 = arith.addi %add3A_4, %add3A_7 : i32
    %dma_start3A = arith.constant 0 : i32
    %dma_start3A_9 = arith.constant 0 : i32
    %dma_start3A_10 = tpu.memref_slice %arg4[%dma_start3A, %dma_start3A_9] : memref<2x16384xf32, #tpu.memory_space<vmem>> -> memref<1x16384xf32, #tpu.memory_space<vmem>>
    %dma_start3A_11 = tpu.memref_squeeze %dma_start3A_10 : memref<1x16384xf32, #tpu.memory_space<vmem>> -> memref<16384xf32, #tpu.memory_space<vmem>>
    %dma_start3A_12 = tpu.memref_slice %arg2[%add3A_8] : memref<33554432xf32, #tpu.memory_space<hbm>> -> memref<16384xf32, #tpu.memory_space<hbm>>
    %dma_start3A_13 = arith.constant 0 : i32
    %dma_start3A_14 = tpu.memref_slice %arg4[%dma_start3A, %dma_start3A_13] : memref<2x16384xf32, #tpu.memory_space<vmem>> -> memref<1x16384xf32, #tpu.memory_space<vmem>>
    %dma_start3A_15 = tpu.memref_squeeze %dma_start3A_14 : memref<1x16384xf32, #tpu.memory_space<vmem>> -> memref<16384xf32, #tpu.memory_space<vmem>>
    %dma_start3A_16 = tpu.memref_slice %arg2[%add3A_8] : memref<33554432xf32, #tpu.memory_space<hbm>> -> memref<16384xf32, #tpu.memory_space<hbm>>
    tpu.enqueue_dma source(%dma_start3A_16 : memref<16384xf32, #tpu.memory_space<hbm>>) target(%dma_start3A_15 : memref<16384xf32, #tpu.memory_space<vmem>>) target_semaphore(%arg6 : memref<!tpu.dma_semaphore, #tpu.memory_space<semaphore_mem>>)
    %add3A_17 = arith.constant 16384 : i32
    %add3A_18 = arith.addi %add3A_4, %add3A_17 : i32
    %dma_start3A_19 = arith.constant 1 : i32
    %dma_start3A_20 = arith.constant 0 : i32
    %dma_start3A_21 = tpu.memref_slice %arg4[%dma_start3A_19, %dma_start3A_20] : memref<2x16384xf32, #tpu.memory_space<vmem>> -> memref<1x16384xf32, #tpu.memory_space<vmem>>
    %dma_start3A_22 = tpu.memref_squeeze %dma_start3A_21 : memref<1x16384xf32, #tpu.memory_space<vmem>> -> memref<16384xf32, #tpu.memory_space<vmem>>
    %dma_start3A_23 = tpu.memref_slice %arg2[%add3A_18] : memref<33554432xf32, #tpu.memory_space<hbm>> -> memref<16384xf32, #tpu.memory_space<hbm>>
    %dma_start3A_24 = arith.constant 0 : i32
    %dma_start3A_25 = tpu.memref_slice %arg4[%dma_start3A_19, %dma_start3A_24] : memref<2x16384xf32, #tpu.memory_space<vmem>> -> memref<1x16384xf32, #tpu.memory_space<vmem>>
    %dma_start3A_26 = tpu.memref_squeeze %dma_start3A_25 : memref<1x16384xf32, #tpu.memory_space<vmem>> -> memref<16384xf32, #tpu.memory_space<vmem>>
    %dma_start3A_27 = tpu.memref_slice %arg2[%add3A_18] : memref<33554432xf32, #tpu.memory_space<hbm>> -> memref<16384xf32, #tpu.memory_space<hbm>>
    tpu.enqueue_dma source(%dma_start3A_27 : memref<16384xf32, #tpu.memory_space<hbm>>) target(%dma_start3A_26 : memref<16384xf32, #tpu.memory_space<vmem>>) target_semaphore(%arg7 : memref<!tpu.dma_semaphore, #tpu.memory_space<semaphore_mem>>)
    %scan3A = arith.constant 0 : i32
    %scan3A_28 = arith.constant 12 : i32
    %scan3A_29 = arith.addi %scan3A, %scan3A_28 : i32
    %scan3A_30 = arith.constant 1 : i32
    scf.for %scan3A_49 = %scan3A to %scan3A_29 step %scan3A_30  : i32 {
      %mul3A_50 = arith.constant 2 : i32
      %mul3A_51 = arith.muli %scan3A_49, %mul3A_50 : i32
      %add3A_52 = arith.constant 0 : i32
      %add3A_53 = arith.addi %mul3A_51, %add3A_52 : i32
      %mul3A_54 = arith.constant 16384 : i32
      %mul3A_55 = arith.muli %add3A_53, %mul3A_54 : i32
      %add3A_56 = arith.addi %add3A_4, %mul3A_55 : i32
      %dma_wait3A_57 = arith.constant 0 : i32
      %dma_wait3A_58 = arith.constant 0 : i32
      %dma_wait3A_59 = tpu.memref_slice %arg4[%dma_wait3A_57, %dma_wait3A_58] : memref<2x16384xf32, #tpu.memory_space<vmem>> -> memref<1x16384xf32, #tpu.memory_space<vmem>>
      %dma_wait3A_60 = tpu.memref_squeeze %dma_wait3A_59 : memref<1x16384xf32, #tpu.memory_space<vmem>> -> memref<16384xf32, #tpu.memory_space<vmem>>
      %dma_wait3A_61 = tpu.memref_slice %arg2[%add3A_56] : memref<33554432xf32, #tpu.memory_space<hbm>> -> memref<16384xf32, #tpu.memory_space<hbm>>
      %dma_wait3A_62 = arith.constant 0 : i32
      %dma_wait3A_63 = tpu.memref_slice %arg4[%dma_wait3A_57, %dma_wait3A_62] : memref<2x16384xf32, #tpu.memory_space<vmem>> -> memref<1x16384xf32, #tpu.memory_space<vmem>>
      %dma_wait3A_64 = tpu.memref_squeeze %dma_wait3A_63 : memref<1x16384xf32, #tpu.memory_space<vmem>> -> memref<16384xf32, #tpu.memory_space<vmem>>
      %dma_wait3A_65 = tpu.memref_slice %arg2[%add3A_56] : memref<33554432xf32, #tpu.memory_space<hbm>> -> memref<16384xf32, #tpu.memory_space<hbm>>
      tpu.wait_dma2 semaphore(%arg6 : memref<!tpu.dma_semaphore, #tpu.memory_space<semaphore_mem>>) src(%dma_wait3A_65 : memref<16384xf32, #tpu.memory_space<hbm>>) dst(%dma_wait3A_64 : memref<16384xf32, #tpu.memory_space<vmem>>)
      %gt3A = arith.constant 0 : i32
      %gt3A_66 = arith.cmpi sgt, %scan3A_49, %gt3A : i32
      %convert_element_type3A = arith.extui %gt3A_66 : i1 to i32
      %cond3A = arith.constant 0 : i32
      %cond3A_67 = arith.cmpi ne, %convert_element_type3A, %cond3A : i32
      scf.if %cond3A_67 {
        %add3A_123 = arith.addi %mul3A_6, %mul3A_55 : i32
        %dma_wait3A_124 = arith.constant 0 : i32
        %dma_wait3A_125 = arith.constant 0 : i32
        %dma_wait3A_126 = tpu.memref_slice %arg5[%dma_wait3A_124, %dma_wait3A_125] : memref<2x16384xi32, #tpu.memory_space<vmem>> -> memref<1x16384xi32, #tpu.memory_space<vmem>>
        %dma_wait3A_127 = tpu.memref_squeeze %dma_wait3A_126 : memref<1x16384xi32, #tpu.memory_space<vmem>> -> memref<16384xi32, #tpu.memory_space<vmem>>
        %dma_wait3A_128 = tpu.memref_slice %arg3[%add3A_123] : memref<12582912xi32, #tpu.memory_space<hbm>> -> memref<16384xi32, #tpu.memory_space<hbm>>
        %dma_wait3A_129 = tpu.memref_slice %arg3[%add3A_123] : memref<12582912xi32, #tpu.memory_space<hbm>> -> memref<16384xi32, #tpu.memory_space<hbm>>
        %dma_wait3A_130 = arith.constant 0 : i32
        %dma_wait3A_131 = tpu.memref_slice %arg5[%dma_wait3A_124, %dma_wait3A_130] : memref<2x16384xi32, #tpu.memory_space<vmem>> -> memref<1x16384xi32, #tpu.memory_space<vmem>>
        %dma_wait3A_132 = tpu.memref_squeeze %dma_wait3A_131 : memref<1x16384xi32, #tpu.memory_space<vmem>> -> memref<16384xi32, #tpu.memory_space<vmem>>
        tpu.wait_dma2 semaphore(%arg8 : memref<!tpu.dma_semaphore, #tpu.memory_space<semaphore_mem>>) src(%dma_wait3A_132 : memref<16384xi32, #tpu.memory_space<vmem>>) dst(%dma_wait3A_129 : memref<16384xi32, #tpu.memory_space<hbm>>)
      } else {
      }
      %parallel_loop3A = arith.constant 0 : i32
      %parallel_loop3A_68 = arith.constant 16384 : i32
      %parallel_loop3A_69 = arith.constant 16 : i32
      scf.for %parallel_loop3A_123 = %parallel_loop3A to %parallel_loop3A_68 step %parallel_loop3A_69  : i32 {
        %parallel_loop3A_124 = arith.constant 0 : i32
        %parallel_loop3A_125 = arith.index_cast %parallel_loop3A_124 : i32 to index
        %parallel_loop3A_126 = arith.index_cast %parallel_loop3A_123 : i32 to index
        %parallel_loop3A_127 = tpu.vector_load %arg4[%parallel_loop3A_125, %parallel_loop3A_126] {strides = array<i32>} : memref<2x16384xf32, #tpu.memory_space<vmem>>, vector<1x16xf32>,
        %parallel_loop3A_128 = vector.shape_cast %parallel_loop3A_127 : vector<1x16xf32> to vector<16xf32>
        %parallel_loop3A_129 = arith.constant 1.280000e+02 : f32
        %parallel_loop3A_130 = vector.broadcast %parallel_loop3A_129 : f32 to vector<16xf32>
        %parallel_loop3A_131 = arith.mulf %parallel_loop3A_128, %parallel_loop3A_130 : vector<16xf32>
        %parallel_loop3A_132 = arith.constant -1.280000e+02 : f32
        %parallel_loop3A_133 = vector.broadcast %parallel_loop3A_132 : f32 to vector<16xf32>
        %parallel_loop3A_134 = arith.maximumf %parallel_loop3A_131, %parallel_loop3A_133 : vector<16xf32>
        %parallel_loop3A_135 = arith.constant 1.270000e+02 : f32
        %parallel_loop3A_136 = vector.broadcast %parallel_loop3A_135 : f32 to vector<16xf32>
        %parallel_loop3A_137 = arith.minimumf %parallel_loop3A_134, %parallel_loop3A_136 : vector<16xf32>
        %parallel_loop3A_138 = arith.fptosi %parallel_loop3A_137 : vector<16xf32> to vector<16xi32>
        %parallel_loop3A_139 = arith.sitofp %parallel_loop3A_138 : vector<16xi32> to vector<16xf32>
        %parallel_loop3A_140 = arith.cmpf olt, %parallel_loop3A_137, %parallel_loop3A_139 : vector<16xf32>
        %parallel_loop3A_141 = arith.constant 1 : i32
        %parallel_loop3A_142 = vector.broadcast %parallel_loop3A_141 : i32 to vector<16xi32>
        %parallel_loop3A_143 = arith.subi %parallel_loop3A_138, %parallel_loop3A_142 : vector<16xi32>
        %parallel_loop3A_144 = arith.select %parallel_loop3A_140, %parallel_loop3A_143, %parallel_loop3A_138 : vector<16xi1>, vector<16xi32>
        %parallel_loop3A_145 = arith.constant 128 : i32
        %parallel_loop3A_146 = vector.broadcast %parallel_loop3A_145 : i32 to vector<16xi32>
        %parallel_loop3A_147 = arith.addi %parallel_loop3A_144, %parallel_loop3A_146 : vector<16xi32>
        %parallel_loop3A_148 = arith.constant 0 : i32
        %parallel_loop3A_149 = arith.index_cast %parallel_loop3A_148 : i32 to index
        %parallel_loop3A_150 = arith.index_cast %parallel_loop3A_123 : i32 to index
        %parallel_loop3A_151 = tpu.vector_load %arg5[%parallel_loop3A_149, %parallel_loop3A_150] {strides = array<i32>} : memref<2x16384xi32, #tpu.memory_space<vmem>>, vector<1x16xi32>,
        %parallel_loop3A_152 = vector.shape_cast %parallel_loop3A_151 : vector<1x16xi32> to vector<16xi32>
        %parallel_loop3A_153 = vector.shape_cast %parallel_loop3A_147 : vector<16xi32> to vector<1x16xi32>
        tpu.vector_store %arg5[%parallel_loop3A_149, %parallel_loop3A_150], %parallel_loop3A_153 {strides = array<i32>} : memref<2x16384xi32, #tpu.memory_space<vmem>>, vector<1x16xi32>,
      } {sc.loop_unroll_factor = 8 : i64, sc.parallel_access}
      %add3A_70 = arith.addi %mul3A_6, %mul3A_55 : i32
      %dma_start3A_71 = arith.constant 0 : i32
      %dma_start3A_72 = arith.constant 0 : i32
      %dma_start3A_73 = tpu.memref_slice %arg5[%dma_start3A_71, %dma_start3A_72] : memref<2x16384xi32, #tpu.memory_space<vmem>> -> memref<1x16384xi32, #tpu.memory_space<vmem>>
      %dma_start3A_74 = tpu.memref_squeeze %dma_start3A_73 : memref<1x16384xi32, #tpu.memory_space<vmem>> -> memref<16384xi32, #tpu.memory_space<vmem>>
      %dma_start3A_75 = tpu.memref_slice %arg3[%add3A_70] : memref<12582912xi32, #tpu.memory_space<hbm>> -> memref<16384xi32, #tpu.memory_space<hbm>>
      %dma_start3A_76 = tpu.memref_slice %arg3[%add3A_70] : memref<12582912xi32, #tpu.memory_space<hbm>> -> memref<16384xi32, #tpu.memory_space<hbm>>
      %dma_start3A_77 = arith.constant 0 : i32
      %dma_start3A_78 = tpu.memref_slice %arg5[%dma_start3A_71, %dma_start3A_77] : memref<2x16384xi32, #tpu.memory_space<vmem>> -> memref<1x16384xi32, #tpu.memory_space<vmem>>
      %dma_start3A_79 = tpu.memref_squeeze %dma_start3A_78 : memref<1x16384xi32, #tpu.memory_space<vmem>> -> memref<16384xi32, #tpu.memory_space<vmem>>
      tpu.enqueue_dma source(%dma_start3A_79 : memref<16384xi32, #tpu.memory_space<vmem>>) target(%dma_start3A_76 : memref<16384xi32, #tpu.memory_space<hbm>>) target_semaphore(%arg8 : memref<!tpu.dma_semaphore, #tpu.memory_space<semaphore_mem>>)
      %lt3A = arith.constant 11 : i32
      %lt3A_80 = arith.cmpi slt, %scan3A_49, %lt3A : i32
      %convert_element_type3A_81 = arith.extui %lt3A_80 : i1 to i32
      %cond3A_82 = arith.constant 0 : i32
      %cond3A_83 = arith.cmpi ne, %convert_element_type3A_81, %cond3A_82 : i32
      scf.if %cond3A_83 {
        %add3A_123 = arith.addi %add3A_4, %mul3A_55 : i32
        %add3A_124 = arith.constant 32768 : i32
        %add3A_125 = arith.addi %add3A_123, %add3A_124 : i32
        %dma_start3A_126 = arith.constant 0 : i32
        %dma_start3A_127 = arith.constant 0 : i32
        %dma_start3A_128 = tpu.memref_slice %arg4[%dma_start3A_126, %dma_start3A_127] : memref<2x16384xf32, #tpu.memory_space<vmem>> -> memref<1x16384xf32, #tpu.memory_space<vmem>>
        %dma_start3A_129 = tpu.memref_squeeze %dma_start3A_128 : memref<1x16384xf32, #tpu.memory_space<vmem>> -> memref<16384xf32, #tpu.memory_space<vmem>>
        %dma_start3A_130 = tpu.memref_slice %arg2[%add3A_125] : memref<33554432xf32, #tpu.memory_space<hbm>> -> memref<16384xf32, #tpu.memory_space<hbm>>
        %dma_start3A_131 = arith.constant 0 : i32
        %dma_start3A_132 = tpu.memref_slice %arg4[%dma_start3A_126, %dma_start3A_131] : memref<2x16384xf32, #tpu.memory_space<vmem>> -> memref<1x16384xf32, #tpu.memory_space<vmem>>
        %dma_start3A_133 = tpu.memref_squeeze %dma_start3A_132 : memref<1x16384xf32, #tpu.memory_space<vmem>> -> memref<16384xf32, #tpu.memory_space<vmem>>
        %dma_start3A_134 = tpu.memref_slice %arg2[%add3A_125] : memref<33554432xf32, #tpu.memory_space<hbm>> -> memref<16384xf32, #tpu.memory_space<hbm>>
        tpu.enqueue_dma source(%dma_start3A_134 : memref<16384xf32, #tpu.memory_space<hbm>>) target(%dma_start3A_133 : memref<16384xf32, #tpu.memory_space<vmem>>) target_semaphore(%arg6 : memref<!tpu.dma_semaphore, #tpu.memory_space<semaphore_mem>>)
      } else {
      }
      %mul3A_84 = arith.constant 2 : i32
      %mul3A_85 = arith.muli %scan3A_49, %mul3A_84 : i32
      %add3A_86 = arith.constant 1 : i32
      %add3A_87 = arith.addi %mul3A_85, %add3A_86 : i32
      %mul3A_88 = arith.constant 16384 : i32
      %mul3A_89 = arith.muli %add3A_87, %mul3A_88 : i32
      %add3A_90 = arith.addi %add3A_4, %mul3A_89 : i32
      %dma_wait3A_91 = arith.constant 1 : i32
      %dma_wait3A_92 = arith.constant 0 : i32
      %dma_wait3A_93 = tpu.memref_slice %arg4[%dma_wait3A_91, %dma_wait3A_92] : memref<2x16384xf32, #tpu.memory_space<vmem>> -> memref<1x16384xf32, #tpu.memory_space<vmem>>
      %dma_wait3A_94 = tpu.memref_squeeze %dma_wait3A_93 : memref<1x16384xf32, #tpu.memory_space<vmem>> -> memref<16384xf32, #tpu.memory_space<vmem>>
      %dma_wait3A_95 = tpu.memref_slice %arg2[%add3A_90] : memref<33554432xf32, #tpu.memory_space<hbm>> -> memref<16384xf32, #tpu.memory_space<hbm>>
      %dma_wait3A_96 = arith.constant 0 : i32
      %dma_wait3A_97 = tpu.memref_slice %arg4[%dma_wait3A_91, %dma_wait3A_96] : memref<2x16384xf32, #tpu.memory_space<vmem>> -> memref<1x16384xf32, #tpu.memory_space<vmem>>
      %dma_wait3A_98 = tpu.memref_squeeze %dma_wait3A_97 : memref<1x16384xf32, #tpu.memory_space<vmem>> -> memref<16384xf32, #tpu.memory_space<vmem>>
      %dma_wait3A_99 = tpu.memref_slice %arg2[%add3A_90] : memref<33554432xf32, #tpu.memory_space<hbm>> -> memref<16384xf32, #tpu.memory_space<hbm>>
      tpu.wait_dma2 semaphore(%arg7 : memref<!tpu.dma_semaphore, #tpu.memory_space<semaphore_mem>>) src(%dma_wait3A_99 : memref<16384xf32, #tpu.memory_space<hbm>>) dst(%dma_wait3A_98 : memref<16384xf32, #tpu.memory_space<vmem>>)
      %gt3A_100 = arith.constant 0 : i32
      %gt3A_101 = arith.cmpi sgt, %scan3A_49, %gt3A_100 : i32
      %convert_element_type3A_102 = arith.extui %gt3A_101 : i1 to i32
      %cond3A_103 = arith.constant 0 : i32
      %cond3A_104 = arith.cmpi ne, %convert_element_type3A_102, %cond3A_103 : i32
      scf.if %cond3A_104 {
        %add3A_123 = arith.addi %mul3A_6, %mul3A_89 : i32
        %dma_wait3A_124 = arith.constant 1 : i32
        %dma_wait3A_125 = arith.constant 0 : i32
        %dma_wait3A_126 = tpu.memref_slice %arg5[%dma_wait3A_124, %dma_wait3A_125] : memref<2x16384xi32, #tpu.memory_space<vmem>> -> memref<1x16384xi32, #tpu.memory_space<vmem>>
        %dma_wait3A_127 = tpu.memref_squeeze %dma_wait3A_126 : memref<1x16384xi32, #tpu.memory_space<vmem>> -> memref<16384xi32, #tpu.memory_space<vmem>>
        %dma_wait3A_128 = tpu.memref_slice %arg3[%add3A_123] : memref<12582912xi32, #tpu.memory_space<hbm>> -> memref<16384xi32, #tpu.memory_space<hbm>>
        %dma_wait3A_129 = tpu.memref_slice %arg3[%add3A_123] : memref<12582912xi32, #tpu.memory_space<hbm>> -> memref<16384xi32, #tpu.memory_space<hbm>>
        %dma_wait3A_130 = arith.constant 0 : i32
        %dma_wait3A_131 = tpu.memref_slice %arg5[%dma_wait3A_124, %dma_wait3A_130] : memref<2x16384xi32, #tpu.memory_space<vmem>> -> memref<1x16384xi32, #tpu.memory_space<vmem>>
        %dma_wait3A_132 = tpu.memref_squeeze %dma_wait3A_131 : memref<1x16384xi32, #tpu.memory_space<vmem>> -> memref<16384xi32, #tpu.memory_space<vmem>>
        tpu.wait_dma2 semaphore(%arg9 : memref<!tpu.dma_semaphore, #tpu.memory_space<semaphore_mem>>) src(%dma_wait3A_132 : memref<16384xi32, #tpu.memory_space<vmem>>) dst(%dma_wait3A_129 : memref<16384xi32, #tpu.memory_space<hbm>>)
      } else {
      }
      %parallel_loop3A_105 = arith.constant 0 : i32
      %parallel_loop3A_106 = arith.constant 16384 : i32
      %parallel_loop3A_107 = arith.constant 16 : i32
      scf.for %parallel_loop3A_123 = %parallel_loop3A_105 to %parallel_loop3A_106 step %parallel_loop3A_107  : i32 {
        %parallel_loop3A_124 = arith.constant 1 : i32
        %parallel_loop3A_125 = arith.index_cast %parallel_loop3A_124 : i32 to index
        %parallel_loop3A_126 = arith.index_cast %parallel_loop3A_123 : i32 to index
        %parallel_loop3A_127 = tpu.vector_load %arg4[%parallel_loop3A_125, %parallel_loop3A_126] {strides = array<i32>} : memref<2x16384xf32, #tpu.memory_space<vmem>>, vector<1x16xf32>,
        %parallel_loop3A_128 = vector.shape_cast %parallel_loop3A_127 : vector<1x16xf32> to vector<16xf32>
        %parallel_loop3A_129 = arith.constant 1.280000e+02 : f32
        %parallel_loop3A_130 = vector.broadcast %parallel_loop3A_129 : f32 to vector<16xf32>
        %parallel_loop3A_131 = arith.mulf %parallel_loop3A_128, %parallel_loop3A_130 : vector<16xf32>
        %parallel_loop3A_132 = arith.constant -1.280000e+02 : f32
        %parallel_loop3A_133 = vector.broadcast %parallel_loop3A_132 : f32 to vector<16xf32>
        %parallel_loop3A_134 = arith.maximumf %parallel_loop3A_131, %parallel_loop3A_133 : vector<16xf32>
        %parallel_loop3A_135 = arith.constant 1.270000e+02 : f32
        %parallel_loop3A_136 = vector.broadcast %parallel_loop3A_135 : f32 to vector<16xf32>
        %parallel_loop3A_137 = arith.minimumf %parallel_loop3A_134, %parallel_loop3A_136 : vector<16xf32>
        %parallel_loop3A_138 = arith.fptosi %parallel_loop3A_137 : vector<16xf32> to vector<16xi32>
        %parallel_loop3A_139 = arith.sitofp %parallel_loop3A_138 : vector<16xi32> to vector<16xf32>
        %parallel_loop3A_140 = arith.cmpf olt, %parallel_loop3A_137, %parallel_loop3A_139 : vector<16xf32>
        %parallel_loop3A_141 = arith.constant 1 : i32
        %parallel_loop3A_142 = vector.broadcast %parallel_loop3A_141 : i32 to vector<16xi32>
        %parallel_loop3A_143 = arith.subi %parallel_loop3A_138, %parallel_loop3A_142 : vector<16xi32>
        %parallel_loop3A_144 = arith.select %parallel_loop3A_140, %parallel_loop3A_143, %parallel_loop3A_138 : vector<16xi1>, vector<16xi32>
        %parallel_loop3A_145 = arith.constant 128 : i32
        %parallel_loop3A_146 = vector.broadcast %parallel_loop3A_145 : i32 to vector<16xi32>
        %parallel_loop3A_147 = arith.addi %parallel_loop3A_144, %parallel_loop3A_146 : vector<16xi32>
        %parallel_loop3A_148 = arith.constant 1 : i32
        %parallel_loop3A_149 = arith.index_cast %parallel_loop3A_148 : i32 to index
        %parallel_loop3A_150 = arith.index_cast %parallel_loop3A_123 : i32 to index
        %parallel_loop3A_151 = tpu.vector_load %arg5[%parallel_loop3A_149, %parallel_loop3A_150] {strides = array<i32>} : memref<2x16384xi32, #tpu.memory_space<vmem>>, vector<1x16xi32>,
        %parallel_loop3A_152 = vector.shape_cast %parallel_loop3A_151 : vector<1x16xi32> to vector<16xi32>
        %parallel_loop3A_153 = vector.shape_cast %parallel_loop3A_147 : vector<16xi32> to vector<1x16xi32>
        tpu.vector_store %arg5[%parallel_loop3A_149, %parallel_loop3A_150], %parallel_loop3A_153 {strides = array<i32>} : memref<2x16384xi32, #tpu.memory_space<vmem>>, vector<1x16xi32>,
      } {sc.loop_unroll_factor = 8 : i64, sc.parallel_access}
      %add3A_108 = arith.addi %mul3A_6, %mul3A_89 : i32
      %dma_start3A_109 = arith.constant 1 : i32
      %dma_start3A_110 = arith.constant 0 : i32
      %dma_start3A_111 = tpu.memref_slice %arg5[%dma_start3A_109, %dma_start3A_110] : memref<2x16384xi32, #tpu.memory_space<vmem>> -> memref<1x16384xi32, #tpu.memory_space<vmem>>
      %dma_start3A_112 = tpu.memref_squeeze %dma_start3A_111 : memref<1x16384xi32, #tpu.memory_space<vmem>> -> memref<16384xi32, #tpu.memory_space<vmem>>
      %dma_start3A_113 = tpu.memref_slice %arg3[%add3A_108] : memref<12582912xi32, #tpu.memory_space<hbm>> -> memref<16384xi32, #tpu.memory_space<hbm>>
      %dma_start3A_114 = tpu.memref_slice %arg3[%add3A_108] : memref<12582912xi32, #tpu.memory_space<hbm>> -> memref<16384xi32, #tpu.memory_space<hbm>>
      %dma_start3A_115 = arith.constant 0 : i32
      %dma_start3A_116 = tpu.memref_slice %arg5[%dma_start3A_109, %dma_start3A_115] : memref<2x16384xi32, #tpu.memory_space<vmem>> -> memref<1x16384xi32, #tpu.memory_space<vmem>>
      %dma_start3A_117 = tpu.memref_squeeze %dma_start3A_116 : memref<1x16384xi32, #tpu.memory_space<vmem>> -> memref<16384xi32, #tpu.memory_space<vmem>>
      tpu.enqueue_dma source(%dma_start3A_117 : memref<16384xi32, #tpu.memory_space<vmem>>) target(%dma_start3A_114 : memref<16384xi32, #tpu.memory_space<hbm>>) target_semaphore(%arg9 : memref<!tpu.dma_semaphore, #tpu.memory_space<semaphore_mem>>)
      %lt3A_118 = arith.constant 11 : i32
      %lt3A_119 = arith.cmpi slt, %scan3A_49, %lt3A_118 : i32
      %convert_element_type3A_120 = arith.extui %lt3A_119 : i1 to i32
      %cond3A_121 = arith.constant 0 : i32
      %cond3A_122 = arith.cmpi ne, %convert_element_type3A_120, %cond3A_121 : i32
      scf.if %cond3A_122 {
        %add3A_123 = arith.addi %add3A_4, %mul3A_89 : i32
        %add3A_124 = arith.constant 32768 : i32
        %add3A_125 = arith.addi %add3A_123, %add3A_124 : i32
        %dma_start3A_126 = arith.constant 1 : i32
        %dma_start3A_127 = arith.constant 0 : i32
        %dma_start3A_128 = tpu.memref_slice %arg4[%dma_start3A_126, %dma_start3A_127] : memref<2x16384xf32, #tpu.memory_space<vmem>> -> memref<1x16384xf32, #tpu.memory_space<vmem>>
        %dma_start3A_129 = tpu.memref_squeeze %dma_start3A_128 : memref<1x16384xf32, #tpu.memory_space<vmem>> -> memref<16384xf32, #tpu.memory_space<vmem>>
        %dma_start3A_130 = tpu.memref_slice %arg2[%add3A_125] : memref<33554432xf32, #tpu.memory_space<hbm>> -> memref<16384xf32, #tpu.memory_space<hbm>>
        %dma_start3A_131 = arith.constant 0 : i32
        %dma_start3A_132 = tpu.memref_slice %arg4[%dma_start3A_126, %dma_start3A_131] : memref<2x16384xf32, #tpu.memory_space<vmem>> -> memref<1x16384xf32, #tpu.memory_space<vmem>>
        %dma_start3A_133 = tpu.memref_squeeze %dma_start3A_132 : memref<1x16384xf32, #tpu.memory_space<vmem>> -> memref<16384xf32, #tpu.memory_space<vmem>>
        %dma_start3A_134 = tpu.memref_slice %arg2[%add3A_125] : memref<33554432xf32, #tpu.memory_space<hbm>> -> memref<16384xf32, #tpu.memory_space<hbm>>
        tpu.enqueue_dma source(%dma_start3A_134 : memref<16384xf32, #tpu.memory_space<hbm>>) target(%dma_start3A_133 : memref<16384xf32, #tpu.memory_space<vmem>>) target_semaphore(%arg7 : memref<!tpu.dma_semaphore, #tpu.memory_space<semaphore_mem>>)
      } else {
      }
    }
    %scan3A_31 = arith.constant 12 : i32
    %dma_wait3A = arith.constant 0 : i32
    %dma_wait3A_32 = arith.constant 0 : i32
    %dma_wait3A_33 = tpu.memref_slice %arg5[%dma_wait3A, %dma_wait3A_32] : memref<2x16384xi32, #tpu.memory_space<vmem>> -> memref<1x16384xi32, #tpu.memory_space<vmem>>
    %dma_wait3A_34 = tpu.memref_squeeze %dma_wait3A_33 : memref<1x16384xi32, #tpu.memory_space<vmem>> -> memref<16384xi32, #tpu.memory_space<vmem>>
    %dma_wait3A_35 = tpu.memref_slice %arg3[%mul3A_6] : memref<12582912xi32, #tpu.memory_space<hbm>> -> memref<16384xi32, #tpu.memory_space<hbm>>
    %dma_wait3A_36 = tpu.memref_slice %arg3[%mul3A_6] : memref<12582912xi32, #tpu.memory_space<hbm>> -> memref<16384xi32, #tpu.memory_space<hbm>>
    %dma_wait3A_37 = arith.constant 0 : i32
    %dma_wait3A_38 = tpu.memref_slice %arg5[%dma_wait3A, %dma_wait3A_37] : memref<2x16384xi32, #tpu.memory_space<vmem>> -> memref<1x16384xi32, #tpu.memory_space<vmem>>
    %dma_wait3A_39 = tpu.memref_squeeze %dma_wait3A_38 : memref<1x16384xi32, #tpu.memory_space<vmem>> -> memref<16384xi32, #tpu.memory_space<vmem>>
    tpu.wait_dma2 semaphore(%arg8 : memref<!tpu.dma_semaphore, #tpu.memory_space<semaphore_mem>>) src(%dma_wait3A_39 : memref<16384xi32, #tpu.memory_space<vmem>>) dst(%dma_wait3A_36 : memref<16384xi32, #tpu.memory_space<hbm>>)
    %dma_wait3A_40 = arith.constant 1 : i32
    %dma_wait3A_41 = arith.constant 0 : i32
    %dma_wait3A_42 = tpu.memref_slice %arg5[%dma_wait3A_40, %dma_wait3A_41] : memref<2x16384xi32, #tpu.memory_space<vmem>> -> memref<1x16384xi32, #tpu.memory_space<vmem>>
    %dma_wait3A_43 = tpu.memref_squeeze %dma_wait3A_42 : memref<1x16384xi32, #tpu.memory_space<vmem>> -> memref<16384xi32, #tpu.memory_space<vmem>>
    %dma_wait3A_44 = tpu.memref_slice %arg3[%mul3A_6] : memref<12582912xi32, #tpu.memory_space<hbm>> -> memref<16384xi32, #tpu.memory_space<hbm>>
    %dma_wait3A_45 = tpu.memref_slice %arg3[%mul3A_6] : memref<12582912xi32, #tpu.memory_space<hbm>> -> memref<16384xi32, #tpu.memory_space<hbm>>
    %dma_wait3A_46 = arith.constant 0 : i32
    %dma_wait3A_47 = tpu.memref_slice %arg5[%dma_wait3A_40, %dma_wait3A_46] : memref<2x16384xi32, #tpu.memory_space<vmem>> -> memref<1x16384xi32, #tpu.memory_space<vmem>>
    %dma_wait3A_48 = tpu.memref_squeeze %dma_wait3A_47 : memref<1x16384xi32, #tpu.memory_space<vmem>> -> memref<16384xi32, #tpu.memory_space<vmem>>
    tpu.wait_dma2 semaphore(%arg9 : memref<!tpu.dma_semaphore, #tpu.memory_space<semaphore_mem>>) src(%dma_wait3A_48 : memref<16384xi32, #tpu.memory_space<vmem>>) dst(%dma_wait3A_45 : memref<16384xi32, #tpu.memory_space<hbm>>)
    return
  }
}

module attributes {stable_mosaic.version = 14 : i64} {
  func.func @_tc_body(%arg0: i32, %arg1: memref<2097152xf32, #tpu.memory_space<vmem>>, %arg2: memref<2097152xi32, #tpu.memory_space<vmem>>) attributes {dimension_semantics = [#tpu.dimension_semantics<arbitrary>], iteration_bounds = array<i64: 10>, scalar_prefetch = 0 : i64, scratch_operands = 0 : i64, tpu.core_type = #tpu.core_type<tc>, window_params = [{transform_indices = @transform_0, window_bounds = array<i64: 2097152>}, {transform_indices = @transform_1, window_bounds = array<i64: 2097152>}]} {
    %get3A = arith.constant 0 : index
    %get3A_0 = vector.load %arg1[%get3A] : memref<2097152xf32, #tpu.memory_space<vmem>>, vector<2097152xf32>
    %mul3A = arith.constant 1.280000e+02 : f32
    %mul3A_1 = vector.broadcast %mul3A : f32 to vector<2097152xf32>
    %mul3A_2 = arith.mulf %get3A_0, %mul3A_1 : vector<2097152xf32>
    %max3A = arith.constant -1.280000e+02 : f32
    %max3A_3 = vector.broadcast %max3A : f32 to vector<2097152xf32>
    %max3A_4 = arith.maximumf %mul3A_2, %max3A_3 : vector<2097152xf32>
    %min3A = arith.constant 1.270000e+02 : f32
    %min3A_5 = vector.broadcast %min3A : f32 to vector<2097152xf32>
    %min3A_6 = arith.minimumf %max3A_4, %min3A_5 : vector<2097152xf32>
    %floor3A = math.floor %min3A_6 : vector<2097152xf32>
    %add3A = arith.constant 1.280000e+02 : f32
    %add3A_7 = vector.broadcast %add3A : f32 to vector<2097152xf32>
    %add3A_8 = arith.addf %floor3A, %add3A_7 : vector<2097152xf32>
    %convert_element_type3A = arith.fptosi %add3A_8 : vector<2097152xf32> to vector<2097152xi32>
    %swap3A = arith.constant 0 : index
    %swap3A_9 = vector.load %arg2[%swap3A] : memref<2097152xi32, #tpu.memory_space<vmem>>, vector<2097152xi32>
    tpu.vector_store %arg2[%swap3A], %convert_element_type3A {strides = array<i32>} : memref<2097152xi32, #tpu.memory_space<vmem>>, vector<2097152xi32>,
    return
  }
  func.func @transform_0(%arg0: i32) -> i32 {
    %c0_i32 = arith.constant 0 : i32
    return %arg0 : i32
  }
  func.func @transform_1(%arg0: i32) -> i32 {
    %c0_i32 = arith.constant 0 : i32
    return %arg0 : i32
  }
}

</mosaic_0001>

<sc_bundles>
// kernel: kernel.4.cloned.1.call-start
scs
__scs_entry_jumppad:
0x0: {  	(pc) =	sbr.rel $0x88, $3  }
0x1: {  	(tag) =	ssettag $0x0;
	lr =	simm.s32 $0x1  }
0x2: {  	[smem:$0x3FA0] =	sst lr;
	_ =	strace $0xD0000000  }
0x3: {  	_ = 	snop  }
0x4: {  	_ = 	snop  }
0x5: {  	_ = 	snop  }
0x6: {  	_ = 	snop  }
0x7: {  	_ = 	snop  }
__scs_overlays_trampoline_lowered:
0x8: {  	[smem:$0x3FAF] =	sst s0  }
0x9: {  	[smem:$0x3FB0] =	sst s1  }
0xa: {  	[smem:$0x3FB1] =	sst s2  }
0xb: {  	[smem:$0x3FB2] =	sst s3  }
0xc: {  	[smem:$0x3FB3] =	sst s4  }
0xd: {  	[smem:$0x3FB4] =	sst s5  }
0xe: {  	[smem:$0x3FB5] =	sst s6  }
0xf: {  	[smem:$0x3FB6] =	sst s7  }
0x10: {  	[smem:$0x3FB7] =	sst s8  }
0x11: {  	[smem:$0x3FB8] =	sst s9;
	s0 =	simm.s32 @!p0 $0x0  }
0x12: {  	s1 =	sld [smem:$0x3F9E];
	s0 =	simm.s32 @p0 $0x1  }
0x13: {  	[smem:$0x3FB9] =	sst s0;
	s0 =	simm.s32 @!p1 $0x0  }
0x14: {  	s2 =	sld [smem:$0x3F9D];
	s0 =	simm.s32 @p1 $0x1  }
0x15: {  	[smem:$0x3FBA] =	sst s0;
	s0 =	simm.s32 @!p2 $0x0  }
0x16: {  	s3 =	sld [smem:$0x3FDB];
	s0 =	simm.s32 @p2 $0x1  }
0x17: {  	s4 =	simm.s32 $0x1BF5;
	[smem:$0x3FBC] =	sst s0  }
0x18: {  	s0 =	sld [smem:$0x3F9F];
	_ =	swait.ge [sflag:s4], $0x0  }
0x19: {  	s7 =	sld [smem:$0x3FA0]  }
0x1a: {  	s8 =	sadd.s32 $0xFFFFE003, lr  }
0x1b: {  	s9 =	sadd.s32 $0xFFFFFEF7, lr;
	s5 =	simm.s32 $0xFFFFFFFF;
	p2 =	slt.u32 s8, $0xFFFFF086  }
0x1c: {  	p1 =	slt.u32 s9, $0xF7A;
	s5 =	simm.s32 @!p2 $0x0  }
0x1d: {  	s5 =	simm.s32 @p1 $0x1;
	p0 =	seq.s32 s7, s2  }
0x1e: {  	s7 =	smul.u32 @!p0 $0xF7A, s2;
	p2 =	seq.s32 @!p0 s5, $0x0  }
0x1f: {  	s9 =	smul.u32 $0xF7A, s1;
	s8 =	simm.s32 @!p0 $0x1BF5;
	p2 =	por !p2, p0  }
0x20: {  	[sflag:s8] =	ssyncset.s32 @!p0 $0xFFFFF086;
	s6 =	sadd.s32 @!p0 s3, s7;
	s7 =	simm.s32 @!p0 $0x108  }
0x21: {  	s3 =	sadd.s32 s3, s9;
	s6 =	sadd.s32 @!p0 $0x88, s6;
	s7 =	simm.s32 @p2 $0x1082  }
0x22: {  	[simem:s7], [sflag:s8] =	dma.local @!p0 [hbm:s6], $0xF7A  }
0x23: {  	s9 =	sor.u32 $0xD0000000, s2;
	s6 =	simm.s32 $0x108;
	_ =	swait.ge @!p0 [sflag:s8], $0x0  }
0x24: {  	s3 =	sadd.s32 $0x88, s3;
	s6 =	simm.s32 @!p1 $0x1082;
	[sflag:s4] =	ssyncset.s32 $0xFFFFF086  }
0x25: {  	[simem:s6], [sflag:s4] =	dma.local [hbm:s3], $0xF7A  }
0x26: {  	[smem:$0x3FA0] =	sst s1;
	(tag) =	ssettag s2;
	_ =	strace s9  }
0x27: {  	s1 =	sld [smem:$0x3FB0]  }
0x28: {  	s2 =	sld [smem:$0x3FB1]  }
0x29: {  	s4 =	sld [smem:$0x3FB3]  }
0x2a: {  	p0 =	seq.s32 s5, $0x0;
	s5 =	sld [smem:$0x3FB4]  }
0x2b: {  	s6 =	sld [smem:$0x3FB5]  }
0x2c: {  	s7 =	sld [smem:$0x3FB6]  }
0x2d: {  	s3 =	simm.s32 $0x108;
	s8 =	sld [smem:$0x3FB7]  }
0x2e: {  	s3 =	simm.s32 @!p0 $0x1082;
	s9 =	sld [smem:$0x3FB8]  }
0x2f: {  	lr =	sadd.s32 s0, s3;
	s0 =	sld [smem:$0x3FAF]  }
0x30: {  	s3 =	sld [smem:$0x3FB2]  }
0x31: {  	[smem:$0x3FBB] =	sst s10  }
0x32: {  	s10 =	sld [smem:$0x3FB9];
	_ =	sdelay $0x3  }
0x33: {  	p0 =	seq.s32 s10, $0x1;
	s10 =	sld [smem:$0x3FBB];
	_ =	sdelay $0x3  }
0x34: {  	[smem:$0x3FBB] =	sst s10  }
0x35: {  	s10 =	sld [smem:$0x3FBA];
	_ =	sdelay $0x3  }
0x36: {  	p1 =	seq.s32 s10, $0x1;
	s10 =	sld [smem:$0x3FBB];
	_ =	sdelay $0x3  }
0x37: {  	[smem:$0x3FBB] =	sst s10  }
0x38: {  	s10 =	sld [smem:$0x3FBC]  }
0x39: {  	_ = 	snop;
	(pc) =	sbr.ind lr, $3  }
0x3a: {  	_ = 	snop  }
0x3b: {  	_ = 	snop  }
0x3c: {  	p2 =	seq.s32 s10, $0x1;
	s10 =	sld [smem:$0x3FBB]  }
0x3d: {  	_ =	shalt  }
0x3e: {  	_ =	shalt  }
0x3f: {  	_ =	shalt  }
0x40: {  	_ =	shalt  }
0x41: {  	_ =	shalt  }
0x42: {  	_ =	shalt  }
0x43: {  	_ =	shalt  }
0x44: {  	_ =	shalt  }
0x45: {  	_ =	shalt  }
0x46: {  	_ =	shalt  }
0x47: {  	_ =	shalt  }
0x48: {  	_ =	shalt  }
0x49: {  	_ =	shalt  }
0x4a: {  	_ =	shalt  }
0x4b: {  	_ =	shalt  }
0x4c: {  	_ =	shalt  }
0x4d: {  	_ =	shalt  }
0x4e: {  	_ =	shalt  }
0x4f: {  	_ =	shalt  }
0x50: {  	_ =	shalt  }
0x51: {  	_ =	shalt  }
0x52: {  	_ =	shalt  }
0x53: {  	_ =	shalt  }
0x54: {  	_ =	shalt  }
0x55: {  	_ =	shalt  }
0x56: {  	_ =	shalt  }
0x57: {  	_ =	shalt  }
0x58: {  	_ =	shalt  }
0x59: {  	_ =	shalt  }
0x5a: {  	_ =	shalt  }
0x5b: {  	_ =	shalt  }
0x5c: {  	_ =	shalt  }
0x5d: {  	_ =	shalt  }
0x5e: {  	_ =	shalt  }
0x5f: {  	_ =	shalt  }
0x60: {  	_ =	shalt  }
0x61: {  	_ =	shalt  }
0x62: {  	_ =	shalt  }
0x63: {  	_ =	shalt  }
0x64: {  	_ =	shalt  }
0x65: {  	_ =	shalt  }
0x66: {  	_ =	shalt  }
0x67: {  	_ =	shalt  }
0x68: {  	_ =	shalt  }
0x69: {  	_ =	shalt  }
0x6a: {  	_ =	shalt  }
0x6b: {  	_ =	shalt  }
0x6c: {  	_ =	shalt  }
0x6d: {  	_ =	shalt  }
0x6e: {  	_ =	shalt  }
0x6f: {  	_ =	shalt  }
0x70: {  	_ =	shalt  }
0x71: {  	_ =	shalt  }
0x72: {  	_ =	shalt  }
0x73: {  	_ =	shalt  }
0x74: {  	_ =	shalt  }
0x75: {  	_ =	shalt  }
0x76: {  	_ =	shalt  }
0x77: {  	_ =	shalt  }
0x78: {  	_ =	shalt  }
0x79: {  	_ =	shalt  }
0x7a: {  	_ =	shalt  }
0x7b: {  	_ =	shalt  }
0x7c: {  	_ =	shalt  }
0x7d: {  	_ =	shalt  }
0x7e: {  	_ =	shalt  }
0x7f: {  	_ =	shalt  }
0x80: {  	_ =	shalt  }
0x81: {  	_ =	shalt  }
0x82: {  	_ =	shalt  }
0x83: {  	_ =	shalt  }
0x84: {  	_ =	shalt  }
0x85: {  	_ =	shalt  }
0x86: {  	_ =	shalt  }
0x87: {  	_ =	shalt  }
.Lfunc_end0:
.L_simem_size_0:
called_computation_lowered:
.L_overlay_start_0:
0x88: {  	s2 =	sld [smem:$0x3FD9]  }
0x89: {  	s3 =	sld [smem:$0x3FFE];
	_ =	sdelay $0x1  }
0x8a: {  	s1 =	srdreg.scid  }
0x8b: {  	s0 =	sand.u32 $0x1, s1  }
0x8c: {  	s17 =	sshll.u32 s0, $0xA;
	s2 =	sadd.s32 s3, s2  }
0x8d: {  	s2 =	sadd.s32 s2, s17  }
0x8e: {  	[smem:$0x3FC7] =	sst s2  }
0x8f: {  	_ = 	snop  }
0x90: {  	s2 =	sld [smem:$0x3FC9];
	(tm) =	ssettm $0x1  }
0x91: {  	s18 =	sld [smem:$0x3FFB];
	_ =	sdelay $0x3  }
0x92: {  	_ =	strace s18  }
0x93: {  	s3 =	sld [smem:$0x3FFC];
	_ =	sdelay $0x3  }
0x94: {  	_ =	strace s3  }
0x95: {  	s3 =	sld [smem:$0x3FFD];
	_ =	sdelay $0x3  }
0x96: {  	_ =	strace s3  }
0x97: {  	_ =	strace $0x8FFFFFFF  }
0x98: {  	s19 =	sld [smem:$0x3FDB];
	_ =	sdelay $0x1  }
0x99: {  	s4 =	simm.s32 $_scs_section_size  }
0x9a: {  	s5 =	simm.s32 $_size__tile_overlayer_lowered;
	s6 =	simm.s32 $_tile_overlayer_lowered  }
0x9b: {  	s22 =	simm.s32 $0x1BFF;
	s21 =	sshll.u32 s6, $0x1;
	s3 =	sadd.s32 s4, s19  }
0x9c: {  	s7 =	simm.s32 $0x0;
	s20 =	sshll.u32 s5, $0x1;
	s5 =	sadd.s32 s21, s3  }
0x9d: {  	[timem:s7], [sflag:s22] =	dma.local [hbm:s5], s20  }
0x9e: {  	_ =	swait.ge [sflag:s22], s20  }
0x9f: {  	s4 =	ssub.s32 $0x0, s20;
	[sflag:s22] =	ssyncset.done $0x0  }
0xa0: {  	[sflag:s22] =	ssyncadd.s32 s4;
	_ =	sdelay $0x1  }
0xa1: {  	s23 =	simm.s32 $0x1B8B  }
0xa2: {  	_ =	swait.ge [sflag:s23], $0x1  }
0xa3: {  	[sflag:s23] =	ssyncset.done $0x0  }
0xa4: {  	s25 =	simm.s32 $0x1B8E;
	s24 =	sld [smem:$0x3FFE];
	[sflag:s23] =	ssyncadd.s32 $0xFFFFFFFF  }
0xa5: {  	s26 =	simm.s32 $execute0_lowered;
	[smem:$0x3FD2] =	sst s25  }
0xa6: {  	s5 =	sshll.u32 s26, $0x1;
	_ =	strace $0x80000046;
	[dreg:$0x1] =	wrdreg $0xFFFFFFFF  }
0xa7: {  	s28 =	simm.s32 $_size_execute0_lowered;
	s3 =	sadd.s32 s3, s5;
	[dreg:$0x0] =	wrdreg $0x0  }
0xa8: {  	s5 =	sshll.u32 s28, $0x1;
	[dreg:$0x2] =	wrdreg s3  }
0xa9: {  	[dreg:$0x3] =	wrdreg s5  }
0xaa: {  	[dreg:$0x4] =	wrdreg $0xC0  }
0xab: {  	_ =	task [dreg:s7], $0x5FFFF  }
0xac: {  	[dreg:$0x1] =	wrdreg $0xFFFFFFFF  }
0xad: {  	[dreg:$0x0] =	wrdreg $0x60  }
0xae: {  	[dreg:$0x2] =	wrdreg s2  }
0xaf: {  	[dreg:$0x3] =	wrdreg s24  }
0xb0: {  	[dreg:$0x4] =	wrdreg $0x9  }
0xb1: {  	_ =	task.clear_ibuf [dreg:s7], $0x5FFFF;
	_ =	strace $0x90000046  }
0xb2: {  	s29 =	simm.s32 $0x9;
	_ =	strace $0x80000048  }
0xb3: {  	_ =	swait.ge [sflag:s29], $0x1  }
0xb4: {  	[sflag:s29] =	ssyncadd.s32 $0xFFFFFFFF  }
0xb5: {  	_ =	strace $0x90000048  }
0xb6: {  	_ =	sfence  }
0xb7: {  	s30 =	sld [smem:$0x0];
	_ =	sdelay $0x2  }
0xb8: {  	s31 =	sshll.u32 s1, $0xD;
	s1 =	sshrl.u32 s1, $0x2  }
0xb9: {  	s3 =	sand.u32 $0x4000, s31;
	s1 =	sadd.s32 s1, s30  }
0xba: {  	s0 =	sor.u32 s3, s0;
	s1 =	sshll.u32 s1, $0x11  }
0xbb: {  	s0 =	sor.u32 s1, s0  }
0xbc: {  	s0 =	sadd.s32 $0x8F2B, s0  }
0xbd: {  	[sflag:s0] =	ssyncadd.remote.s32 $0x1  }
0xbe: {  	_ =	sfence.sel $0xFFFF  }
0xbf: {  	[dreg:$0x0] =	wrdreg $0xFFFFFFFF;
	(pc) =	sbr.abs _section_cstart, $3  }
0xc0: {  	[dreg:$0x1] =	wrdreg $0xFFFFFFFF  }
0xc1: {  	_ =	task.clear_ibuf [dreg:s7], $0x2FFFF;
	_ =	strace $0x9FFFFFFF  }
0xc2: {  	(tm) =	ssettm $0x7FFFFFFF  }
0xc3: {  	_ =	shalt  }
tec
execute0_lowered:
.L_overlay_start_1:
0x0: {  	(tag) =	ssettag $0x1  }
0x1: {  	s1 =	srdreg.scid;
	s2 =	rddreg [dreg:$0x0]  }
0x2: {  	s0 =	stileid.u32;
	s6 =	rddreg [dreg:$0x1]  }
0x3: {  	s3 =	simm.s32 $0x0;
	s5 =	sand.u32 $0x1, s1;
	s30 =	sshll.u32 s0, $0x1  }
0x4: {  	s11 =	simm.s32 $0x2;
	s12 =	simm.s32 $0x3;
	s4 =	sor.u32 s5, s30  }
0x5: {  	s13 =	simm.s32 $0x4;
	s14 =	simm.s32 $0x0;
	s4 =	smul.u32 $0x60000, s4  }
.Ltmp0:
0x6: {  	[smem:$0x7FF] =	sst s3;
	s7 =	ssub.s32 $0x2, s5;
	(pc) =	sbr.rel .LBB2_1-.Ltmp0, $4  }
0x7: {  	s1 =	rddreg [dreg:$0x2];
	_ =	strace $0x80000047;
	s8 =	sshrl.u32 s7, $0x1  }
0x8: {  	s5 =	sadd.s32 $0x400, s6;
	s10 =	ssub.s32 s7, s8;
	s9 =	sshrl.u32 s4, $0x3  }
0x9: {  	s8 =	sadd.s32 $0x1408000, s4;
	s31 =	sadd.s32 s2, s9;
	s9 =	smax.u32 s10, $0x1  }
0xa: {  	v0 =	vimm.s32 $0x0;
	s10 =	simm.s32 $0x1;
	s6 =	sadd.s32 $0x280000, s31;
	s7 =	sadd.s32 $0x280800, s31  }
.LBB2_22:
0xb: {  	s14 =	sadd.s32 $0x1, s14  }
0xc: {  	_ =	swait.ge [sflag:s12], $0x4000;
	p0 =	sne.s32 s14, s9  }
.Ltmp1:
0xd: {  	[sflag:s12] =	ssyncset.done $0x0;
	(pc) =	sbr.rel @!p0 .LBB2_23-.Ltmp1, $4  }
0xe: {  	[sflag:s12] =	ssyncadd.s32 $0xFFFFC000  }
0xf: {  	_ =	swait.ge [sflag:s13], $0x4000  }
0x10: {  	[sflag:s13] =	ssyncset.done $0x0  }
0x11: {  	[sflag:s13] =	ssyncadd.s32 $0xFFFFC000  }
.LBB2_1:
0x12: {  	s15 =	simm.s32 $0x10  }
0x13: {  	s18 =	sadd.s32 $0x0, s6;
	s16 =	simm.s32 $0x100;
	s17 =	simm.s32 $0x0  }
.LBB2_2:
0x14: {  	[tilespmem:s17], [sflag:$0x1] =	stream.linear.gather [hbm4b:s18+s3], $0x80, $0x38;
	[tilespmem:$0x10000] =	vst v63  }
0x15: {  	s18 =	smov.u32 s15;
	s17 =	smov.u32 s16;
	p0 =	sne.s32 s15, $0x7F0  }
.Ltmp2:
0x16: {  	s15 =	sadd.s32 $0x10, s15;
	(pc) =	sbr.rel @p0 .LBB2_2-.Ltmp2, $2  }
0x17: {  	_ =	sdelay $0x2  }
0x18: {  	s16 =	sadd.s32 $0x100, s16;
	s18 =	sadd.s32 s18, s6  }
0x19: {  	[tilespmem:s17], [sflag:$0x1] =	stream.linear.gather [hbm4b:s18+s3], $0x80, $0x38;
	[tilespmem:$0x10000] =	vst v63  }
0x1a: {  	s15 =	simm.s32 $0x0;
	s16 =	simm.s32 $0x80  }
0x1b: {  	s17 =	simm.s32 $0x10;
	s19 =	sadd.s32 $0x0, s7;
	s18 =	simm.s32 $0x180  }
.LBB2_4:
0x1c: {  	[tilespmem:s16], [sflag:$0x2] =	stream.linear.gather [hbm4b:s19+s15], $0x80, $0x38;
	[tilespmem:$0x10000] =	vst v63  }
0x1d: {  	s19 =	smov.u32 s17;
	s16 =	smov.u32 s18;
	p0 =	sne.s32 s17, $0x7F0  }
.Ltmp3:
0x1e: {  	s17 =	sadd.s32 $0x10, s17;
	(pc) =	sbr.rel @p0 .LBB2_4-.Ltmp3, $2  }
0x1f: {  	_ =	sdelay $0x2  }
0x20: {  	s18 =	sadd.s32 $0x100, s18;
	s19 =	sadd.s32 s19, s7  }
0x21: {  	[tilespmem:s16], [sflag:$0x2] =	stream.linear.gather [hbm4b:s19+s15], $0x80, $0x38;
	[tilespmem:$0x10000] =	vst v63  }
.LBB2_6:
0x22: {  	_ =	swait.ge [sflag:s10], $0x4000  }
0x23: {  	p0 =	seq.s32 s15, $0x0;
	[sflag:s10] =	ssyncset.done $0x0  }
0x24: {  	s16 =	simm.s32 @!p0 $0x3;
	[sflag:s10] =	ssyncadd.s32 $0xFFFFC000  }
0x25: {  	_ =	swait.ge @!p0 [sflag:s16], $0x4000  }
0x26: {  	[sflag:s16] =	ssyncset.done @!p0 $0x0  }
0x27: {  	s31 =	simm.s32 $0x40;
	[sflag:s16] =	ssyncadd.s32 @!p0 $0xFFFFC000  }
0x28: {  	v1 =	vld [tilespmem:s31+$0x30]  }
0x29: {  	v2 =	vld [tilespmem:s31+$0xFFFFFFD0]  }
0x2a: {  	v3 =	vld [tilespmem:s31+$0xFFFFFFE0]  }
0x2b: {  	v4 =	vld [tilespmem:s31+$0xFFFFFFF0]  }
0x2c: {  	v5 =	vld [tilespmem:s31+$0x0]  }
0x2d: {  	v6 =	vld [tilespmem:s31+$0x10]  }
0x2e: {  	v8 =	vld [tilespmem:s31+$0xFFFFFFC0];
	_ =	sdelay $0x1  }
0x2f: {  	v1 =	vmul.f32 $1.280000000e+02, v1  }
0x30: {  	v2 =	vmul.f32 $1.280000000e+02, v2;
	v3 =	vmul.f32 $1.280000000e+02, v3  }
0x31: {  	v4 =	vmul.f32 $1.280000000e+02, v4;
	v5 =	vmul.f32 $1.280000000e+02, v5  }
0x32: {  	v6 =	vmul.f32 $1.280000000e+02, v6;
	v8 =	vmul.f32 $1.280000000e+02, v8  }
0x33: {  	v7 =	vld [tilespmem:s31+$0x20];
	v1 =	vmax.f32 v1, $-1.280000000e+02;
	v2 =	vmax.f32 v2, $-1.280000000e+02;
	v3 =	vmax.f32 v3, $-1.280000000e+02  }
0x34: {  	v4 =	vmax.f32 v4, $-1.280000000e+02;
	v5 =	vmax.f32 v5, $-1.280000000e+02;
	v6 =	vmax.f32 v6, $-1.280000000e+02  }
0x35: {  	v8 =	vmax.f32 v8, $-1.280000000e+02;
	v1 =	vmin.f32 v1, $1.270000000e+02;
	v2 =	vmin.f32 v2, $1.270000000e+02  }
0x36: {  	v3 =	vmin.f32 v3, $1.270000000e+02;
	v8 =	vmin.f32 v8, $1.270000000e+02;
	v9 =	vtrunc.f32 v1  }
0x37: {  	v4 =	vmin.f32 v4, $1.270000000e+02;
	v10 =	vcvt.f32.s32 v9;
	vm0 =	vlt.f32 v1, v9  }
0x38: {  	v1 =	vmul.f32 $1.280000000e+02, v7;
	v9 =	vmin.f32 v5, $1.270000000e+02;
	v5 =	vtrunc.f32 v8  }
0x39: {  	v7 =	vsel vm0, $0xFFFFFFFF, v0;
	vm5 =	vlt.f32 v8, v5;
	v8 =	vtrunc.f32 v9  }
0x3a: {  	v7 =	vadd.s32 v7, v10;
	v1 =	vmax.f32 v1, $-1.280000000e+02;
	v10 =	vmin.f32 v6, $1.270000000e+02  }
0x3b: {  	v6 =	vtrunc.f32 v3;
	vm3 =	vlt.f32 v9, v8;
	v11 =	vmin.f32 v1, $1.270000000e+02  }
0x3c: {  	v1 =	vtrunc.f32 v2;
	vm1 =	vlt.f32 v3, v6;
	v12 =	vtrunc.f32 v10  }
0x3d: {  	v14 =	vadd.s32 $0x80, v7;
	v7 =	vcvt.f32.s32 v5;
	v6 =	vcvt.f32.s32 v6  }
0x3e: {  	vm0 =	vlt.f32 v2, v1;
	v2 =	vtrunc.f32 v4;
	v13 =	vtrunc.f32 v11  }
0x3f: {  	v5 =	vcvt.f32.s32 v1;
	vm4 =	vlt.f32 v10, v12;
	v1 =	vcvt.f32.s32 v12  }
0x40: {  	s17 =	simm.s32 $0x8040;
	vm2 =	vlt.f32 v4, v2;
	v3 =	vcvt.f32.s32 v2;
	v4 =	vcvt.f32.s32 v8  }
0x41: {  	s18 =	simm.s32 $0x0;
	s19 =	simm.s32 $0x140;
	s16 =	sshll.u32 s15, $0xF;
	[tilespmem:s17+$0x30] =	vst v14;
	v8 =	vsel vm5, $0xFFFFFFFF, v0;
	v2 =	vcvt.f32.s32 v13;
	vm5 =	vlt.f32 v11, v13  }
.LBB2_7:
0x42: {  	v9 =	vld [tilespmem:s19+$0x30];
	s18 =	sadd.s32 $0x80, s18;
	v10 =	vsel vm0, $0xFFFFFFFF, v0;
	v11 =	vsel vm1, $0xFFFFFFFF, v0;
	v12 =	vsel vm2, $0xFFFFFFFF, v0  }
0x43: {  	v14 =	vsel vm3, $0xFFFFFFFF, v0;
	v15 =	vsel vm4, $0xFFFFFFFF, v0;
	v16 =	vsel vm5, $0xFFFFFFFF, v0;
	v13 =	vld [tilespmem:s19+$0xFFFFFFD0];
	p1 =	slt.u32 s18, $0x3F80  }
0x44: {  	v7 =	vadd.s32 v8, v7;
	v5 =	vadd.s32 v10, v5;
	v6 =	vadd.s32 v11, v6;
	v17 =	vld [tilespmem:s19+$0xFFFFFFE0]  }
0x45: {  	v3 =	vadd.s32 v12, v3;
	v4 =	vadd.s32 v14, v4;
	v1 =	vadd.s32 v15, v1;
	v8 =	vld [tilespmem:s19+$0xFFFFFFF0]  }
0x46: {  	v7 =	vadd.s32 $0x80, v7;
	v2 =	vadd.s32 v16, v2;
	v5 =	vadd.s32 $0x80, v5;
	v10 =	vld [tilespmem:s19+$0x0]  }
0x47: {  	v6 =	vadd.s32 $0x80, v6;
	v3 =	vadd.s32 $0x80, v3;
	v11 =	vld [tilespmem:s19+$0x10];
	v9 =	vmul.f32 $1.280000000e+02, v9;
	[tilespmem:s17+$0xFFFFFFC0] =	vst v7  }
0x48: {  	v4 =	vadd.s32 $0x80, v4;
	v1 =	vadd.s32 $0x80, v1;
	v7 =	vmul.f32 $1.280000000e+02, v13;
	v12 =	vld [tilespmem:s19+$0x20];
	[tilespmem:s17+$0xFFFFFFD0] =	vst v5  }
0x49: {  	v2 =	vadd.s32 $0x80, v2;
	v5 =	vld [tilespmem:s19+$0xFFFFFFC0];
	v13 =	vmul.f32 $1.280000000e+02, v17;
	v9 =	vmax.f32 v9, $-1.280000000e+02;
	[tilespmem:s17+$0xFFFFFFE0] =	vst v6  }
0x4a: {  	v6 =	vmax.f32 v7, $-1.280000000e+02;
	v7 =	vmul.f32 $1.280000000e+02, v8;
	v8 =	vmin.f32 v9, $1.270000000e+02;
	[tilespmem:s17+$0xFFFFFFF0] =	vst v3  }
0x4b: {  	v3 =	vmax.f32 v13, $-1.280000000e+02;
	v9 =	vmul.f32 $1.280000000e+02, v10;
	v10 =	vtrunc.f32 v8;
	[tilespmem:s17+$0x0] =	vst v4  }
0x4c: {  	v4 =	vmul.f32 $1.280000000e+02, v11;
	v11 =	vcvt.f32.s32 v10;
	vm0 =	vlt.f32 v8, v10;
	[tilespmem:s17+$0x10] =	vst v1  }
0x4d: {  	v1 =	vmax.f32 v7, $-1.280000000e+02;
	v7 =	vmul.f32 $1.280000000e+02, v12;
	v8 =	vsel vm0, $0xFFFFFFFF, v0;
	[tilespmem:s17+$0x20] =	vst v2  }
0x4e: {  	v2 =	vmul.f32 $1.280000000e+02, v5;
	v5 =	vmax.f32 v9, $-1.280000000e+02;
	v8 =	vadd.s32 v8, v11  }
0x4f: {  	s17 =	sadd.s32 $0x100, s17;
	v4 =	vmax.f32 v4, $-1.280000000e+02;
	v7 =	vmax.f32 v7, $-1.280000000e+02;
	v8 =	vadd.s32 $0x80, v8  }
0x50: {  	v6 =	vmin.f32 v6, $1.270000000e+02;
	v3 =	vmin.f32 v3, $1.270000000e+02;
	v2 =	vmax.f32 v2, $-1.280000000e+02;
	[tilespmem:s17+$0x30] =	vst v8  }
0x51: {  	v1 =	vmin.f32 v1, $1.270000000e+02;
	v8 =	vmin.f32 v5, $1.270000000e+02;
	v2 =	vmin.f32 v2, $1.270000000e+02  }
0x52: {  	v9 =	vmin.f32 v4, $1.270000000e+02;
	v10 =	vmin.f32 v7, $1.270000000e+02;
	v5 =	vtrunc.f32 v2  }
0x53: {  	v4 =	vtrunc.f32 v3;
	vm5 =	vlt.f32 v2, v5;
	v2 =	vtrunc.f32 v6  }
0x54: {  	v11 =	vtrunc.f32 v1;
	v12 =	vtrunc.f32 v8;
	vm0 =	vlt.f32 v6, v2  }
.Ltmp4:
0x55: {  	vm1 =	vlt.f32 v3, v4;
	v13 =	vtrunc.f32 v9;
	v14 =	vtrunc.f32 v10;
	(pc) =	sbr.rel @p1 .LBB2_7-.Ltmp4, $4  }
0x56: {  	vm2 =	vlt.f32 v1, v11;
	v7 =	vcvt.f32.s32 v5;
	v5 =	vcvt.f32.s32 v2  }
0x57: {  	v3 =	vcvt.f32.s32 v11;
	vm3 =	vlt.f32 v8, v12;
	v6 =	vcvt.f32.s32 v4  }
0x58: {  	v1 =	vcvt.f32.s32 v13;
	vm4 =	vlt.f32 v9, v13;
	v4 =	vcvt.f32.s32 v12  }
0x59: {  	s19 =	sadd.s32 $0x100, s19;
	v8 =	vsel vm5, $0xFFFFFFFF, v0;
	v2 =	vcvt.f32.s32 v14;
	vm5 =	vlt.f32 v10, v14  }
0x5a: {  	v9 =	vsel vm0, $0xFFFFFFFF, v0;
	v7 =	vadd.s32 v8, v7  }
0x5b: {  	v59 =	vsel vm1, $0xFFFFFFFF, v0;
	v5 =	vadd.s32 v9, v5;
	v7 =	vadd.s32 $0x80, v7  }
0x5c: {  	v60 =	vsel vm2, $0xFFFFFFFF, v0;
	v6 =	vadd.s32 v59, v6;
	v5 =	vadd.s32 $0x80, v5;
	[tilespmem:s17+$0xFFFFFFC0] =	vst v7  }
0x5d: {  	v61 =	vsel vm3, $0xFFFFFFFF, v0;
	v3 =	vadd.s32 v60, v3;
	v6 =	vadd.s32 $0x80, v6;
	[tilespmem:s17+$0xFFFFFFD0] =	vst v5  }
0x5e: {  	v62 =	vsel vm4, $0xFFFFFFFF, v0;
	v4 =	vadd.s32 v61, v4;
	v3 =	vadd.s32 $0x80, v3;
	[tilespmem:s17+$0xFFFFFFE0] =	vst v6  }
0x5f: {  	v63 =	vsel vm5, $0xFFFFFFFF, v0;
	s18 =	sadd.s32 s4, s16;
	v1 =	vadd.s32 v62, v1;
	v4 =	vadd.s32 $0x80, v4;
	[tilespmem:s17+$0xFFFFFFF0] =	vst v3  }
0x60: {  	v2 =	vadd.s32 v63, v2;
	s18 =	sshrl.u32 s18, $0x3;
	v1 =	vadd.s32 $0x80, v1;
	[tilespmem:s17+$0x0] =	vst v4  }
0x61: {  	s19 =	simm.s32 $0x8000;
	v2 =	vadd.s32 $0x80, v2;
	s18 =	sadd.s32 s5, s18;
	[tilespmem:s17+$0x10] =	vst v1  }
0x62: {  	s20 =	simm.s32 $0x8100;
	[tilespmem:s17+$0x20] =	vst v2;
	s17 =	simm.s32 $0x10;
	s21 =	sadd.s32 $0x0, s18  }
.LBB2_9:
0x63: {  	[hbm4b:s21+s3] =	stream.linear.scatter [tilespmem:s19], [sflag:$0x3], $0x80, $0x38;
	[tilespmem:$0x10000] =	vst v63  }
0x64: {  	s21 =	smov.u32 s17;
	s19 =	smov.u32 s20;
	p1 =	sne.s32 s17, $0x7F0  }
.Ltmp5:
0x65: {  	s17 =	sadd.s32 $0x10, s17;
	(pc) =	sbr.rel @p1 .LBB2_9-.Ltmp5, $2  }
0x66: {  	_ =	sdelay $0x2  }
0x67: {  	s20 =	sadd.s32 $0x100, s20;
	s21 =	sadd.s32 s21, s18  }
0x68: {  	p1 =	seq.s32 s15, $0xB  }
.Ltmp6:
0x69: {  	_ = 	snop;
	(pc) =	sbr.rel @p1 .LBB2_14-.Ltmp6, $2  }
0x6a: {  	_ =	sdelay $0x2  }
0x6b: {  	[hbm4b:s21+s3] =	stream.linear.scatter [tilespmem:s19], [sflag:$0x3], $0x80, $0x38;
	[tilespmem:$0x10000] =	vst v63  }
0x6c: {  	s17 =	sadd.s32 s16, s8  }
0x6d: {  	s17 =	sshrl.u32 s17, $0x3  }
0x6e: {  	s18 =	simm.s32 $0x0;
	s17 =	sadd.s32 s2, s17  }
0x6f: {  	s19 =	simm.s32 $0x10;
	s20 =	simm.s32 $0x100;
	s21 =	sadd.s32 $0x0, s17  }
.LBB2_12:
0x70: {  	[tilespmem:s18], [sflag:$0x1] =	stream.linear.gather [hbm4b:s21+s3], $0x80, $0x38;
	[tilespmem:$0x10000] =	vst v63  }
0x71: {  	s21 =	smov.u32 s19;
	s18 =	smov.u32 s20;
	p2 =	sne.s32 s19, $0x7F0  }
.Ltmp7:
0x72: {  	s19 =	sadd.s32 $0x10, s19;
	(pc) =	sbr.rel @p2 .LBB2_12-.Ltmp7, $2  }
0x73: {  	_ =	sdelay $0x2  }
0x74: {  	s20 =	sadd.s32 $0x100, s20;
	s21 =	sadd.s32 s21, s17  }
0x75: {  	[tilespmem:s18], [sflag:$0x1] =	stream.linear.gather [hbm4b:s21+s3], $0x80, $0x38;
	[tilespmem:$0x10000] =	vst v63  }
.LBB2_14:
0x76: {  	_ =	swait.ge [sflag:s11], $0x4000  }
0x77: {  	[sflag:s11] =	ssyncset.done $0x0  }
0x78: {  	s17 =	simm.s32 @!p0 $0x4;
	[sflag:s11] =	ssyncadd.s32 $0xFFFFC000  }
0x79: {  	_ =	swait.ge @!p0 [sflag:s17], $0x4000  }
0x7a: {  	[sflag:s17] =	ssyncset.done @!p0 $0x0  }
0x7b: {  	s31 =	simm.s32 $0xF0;
	[sflag:s17] =	ssyncadd.s32 @!p0 $0xFFFFC000  }
0x7c: {  	v1 =	vld [tilespmem:s31+$0x0]  }
0x7d: {  	v2 =	vld [tilespmem:s31+$0xFFFFFFA0]  }
0x7e: {  	v3 =	vld [tilespmem:s31+$0xFFFFFFB0]  }
0x7f: {  	v4 =	vld [tilespmem:s31+$0xFFFFFFC0]  }
0x80: {  	v5 =	vld [tilespmem:s31+$0xFFFFFFD0]  }
0x81: {  	v6 =	vld [tilespmem:s31+$0xFFFFFFE0]  }
0x82: {  	v8 =	vld [tilespmem:s31+$0xFFFFFF90];
	_ =	sdelay $0x1  }
0x83: {  	v1 =	vmul.f32 $1.280000000e+02, v1  }
0x84: {  	v2 =	vmul.f32 $1.280000000e+02, v2;
	v3 =	vmul.f32 $1.280000000e+02, v3  }
0x85: {  	v4 =	vmul.f32 $1.280000000e+02, v4;
	v5 =	vmul.f32 $1.280000000e+02, v5  }
0x86: {  	v6 =	vmul.f32 $1.280000000e+02, v6;
	v8 =	vmul.f32 $1.280000000e+02, v8  }
0x87: {  	v7 =	vld [tilespmem:s31+$0xFFFFFFF0];
	v1 =	vmax.f32 v1, $-1.280000000e+02;
	v2 =	vmax.f32 v2, $-1.280000000e+02;
	v3 =	vmax.f32 v3, $-1.280000000e+02  }
0x88: {  	v4 =	vmax.f32 v4, $-1.280000000e+02;
	v5 =	vmax.f32 v5, $-1.280000000e+02;
	v6 =	vmax.f32 v6, $-1.280000000e+02  }
0x89: {  	v8 =	vmax.f32 v8, $-1.280000000e+02;
	v1 =	vmin.f32 v1, $1.270000000e+02;
	v2 =	vmin.f32 v2, $1.270000000e+02  }
0x8a: {  	v3 =	vmin.f32 v3, $1.270000000e+02;
	v8 =	vmin.f32 v8, $1.270000000e+02;
	v9 =	vtrunc.f32 v1  }
0x8b: {  	v4 =	vmin.f32 v4, $1.270000000e+02;
	v10 =	vcvt.f32.s32 v9;
	vm0 =	vlt.f32 v1, v9  }
0x8c: {  	v1 =	vmul.f32 $1.280000000e+02, v7;
	v9 =	vmin.f32 v5, $1.270000000e+02;
	v5 =	vtrunc.f32 v8  }
0x8d: {  	v7 =	vsel vm0, $0xFFFFFFFF, v0;
	vm5 =	vlt.f32 v8, v5;
	v8 =	vtrunc.f32 v9  }
0x8e: {  	v7 =	vadd.s32 v7, v10;
	v1 =	vmax.f32 v1, $-1.280000000e+02;
	v10 =	vmin.f32 v6, $1.270000000e+02  }
0x8f: {  	v6 =	vtrunc.f32 v3;
	vm3 =	vlt.f32 v9, v8;
	v11 =	vmin.f32 v1, $1.270000000e+02  }
0x90: {  	v1 =	vtrunc.f32 v2;
	vm1 =	vlt.f32 v3, v6;
	v12 =	vtrunc.f32 v10  }
0x91: {  	v14 =	vadd.s32 $0x80, v7;
	v7 =	vcvt.f32.s32 v5;
	v6 =	vcvt.f32.s32 v6  }
0x92: {  	vm0 =	vlt.f32 v2, v1;
	v2 =	vtrunc.f32 v4;
	v13 =	vtrunc.f32 v11  }
0x93: {  	v5 =	vcvt.f32.s32 v1;
	vm4 =	vlt.f32 v10, v12;
	v1 =	vcvt.f32.s32 v12  }
0x94: {  	s17 =	simm.s32 $0x80F0;
	vm2 =	vlt.f32 v4, v2;
	v3 =	vcvt.f32.s32 v2;
	v4 =	vcvt.f32.s32 v8  }
0x95: {  	s16 =	sor.u32 $0x4000, s16;
	s18 =	simm.s32 $0x0;
	s19 =	simm.s32 $0x1F0;
	[tilespmem:s17+$0x0] =	vst v14;
	v8 =	vsel vm5, $0xFFFFFFFF, v0;
	v2 =	vcvt.f32.s32 v13;
	vm5 =	vlt.f32 v11, v13  }
.LBB2_15:
0x96: {  	v9 =	vld [tilespmem:s19+$0x0];
	s18 =	sadd.s32 $0x80, s18;
	v10 =	vsel vm0, $0xFFFFFFFF, v0;
	v11 =	vsel vm1, $0xFFFFFFFF, v0;
	v12 =	vsel vm2, $0xFFFFFFFF, v0  }
0x97: {  	v14 =	vsel vm3, $0xFFFFFFFF, v0;
	v15 =	vsel vm4, $0xFFFFFFFF, v0;
	v16 =	vsel vm5, $0xFFFFFFFF, v0;
	v13 =	vld [tilespmem:s19+$0xFFFFFFA0];
	p0 =	slt.u32 s18, $0x3F80  }
0x98: {  	v7 =	vadd.s32 v8, v7;
	v5 =	vadd.s32 v10, v5;
	v6 =	vadd.s32 v11, v6;
	v17 =	vld [tilespmem:s19+$0xFFFFFFB0]  }
0x99: {  	v3 =	vadd.s32 v12, v3;
	v4 =	vadd.s32 v14, v4;
	v1 =	vadd.s32 v15, v1;
	v8 =	vld [tilespmem:s19+$0xFFFFFFC0]  }
0x9a: {  	v7 =	vadd.s32 $0x80, v7;
	v2 =	vadd.s32 v16, v2;
	v5 =	vadd.s32 $0x80, v5;
	v10 =	vld [tilespmem:s19+$0xFFFFFFD0]  }
0x9b: {  	v6 =	vadd.s32 $0x80, v6;
	v3 =	vadd.s32 $0x80, v3;
	v11 =	vld [tilespmem:s19+$0xFFFFFFE0];
	v9 =	vmul.f32 $1.280000000e+02, v9;
	[tilespmem:s17+$0xFFFFFF90] =	vst v7  }
0x9c: {  	v4 =	vadd.s32 $0x80, v4;
	v1 =	vadd.s32 $0x80, v1;
	v7 =	vmul.f32 $1.280000000e+02, v13;
	v12 =	vld [tilespmem:s19+$0xFFFFFFF0];
	[tilespmem:s17+$0xFFFFFFA0] =	vst v5  }
0x9d: {  	v2 =	vadd.s32 $0x80, v2;
	v5 =	vld [tilespmem:s19+$0xFFFFFF90];
	v13 =	vmul.f32 $1.280000000e+02, v17;
	v9 =	vmax.f32 v9, $-1.280000000e+02;
	[tilespmem:s17+$0xFFFFFFB0] =	vst v6  }
0x9e: {  	v6 =	vmax.f32 v7, $-1.280000000e+02;
	v7 =	vmul.f32 $1.280000000e+02, v8;
	v8 =	vmin.f32 v9, $1.270000000e+02;
	[tilespmem:s17+$0xFFFFFFC0] =	vst v3  }
0x9f: {  	v3 =	vmax.f32 v13, $-1.280000000e+02;
	v9 =	vmul.f32 $1.280000000e+02, v10;
	v10 =	vtrunc.f32 v8;
	[tilespmem:s17+$0xFFFFFFD0] =	vst v4  }
0xa0: {  	v4 =	vmul.f32 $1.280000000e+02, v11;
	v11 =	vcvt.f32.s32 v10;
	vm0 =	vlt.f32 v8, v10;
	[tilespmem:s17+$0xFFFFFFE0] =	vst v1  }
0xa1: {  	v1 =	vmax.f32 v7, $-1.280000000e+02;
	v7 =	vmul.f32 $1.280000000e+02, v12;
	v8 =	vsel vm0, $0xFFFFFFFF, v0;
	[tilespmem:s17+$0xFFFFFFF0] =	vst v2  }
0xa2: {  	v2 =	vmul.f32 $1.280000000e+02, v5;
	v5 =	vmax.f32 v9, $-1.280000000e+02;
	v8 =	vadd.s32 v8, v11  }
0xa3: {  	s17 =	sadd.s32 $0x100, s17;
	v4 =	vmax.f32 v4, $-1.280000000e+02;
	v7 =	vmax.f32 v7, $-1.280000000e+02;
	v8 =	vadd.s32 $0x80, v8  }
0xa4: {  	v6 =	vmin.f32 v6, $1.270000000e+02;
	v3 =	vmin.f32 v3, $1.270000000e+02;
	v2 =	vmax.f32 v2, $-1.280000000e+02;
	[tilespmem:s17+$0x0] =	vst v8  }
0xa5: {  	v1 =	vmin.f32 v1, $1.270000000e+02;
	v8 =	vmin.f32 v5, $1.270000000e+02;
	v2 =	vmin.f32 v2, $1.270000000e+02  }
0xa6: {  	v9 =	vmin.f32 v4, $1.270000000e+02;
	v10 =	vmin.f32 v7, $1.270000000e+02;
	v5 =	vtrunc.f32 v2  }
0xa7: {  	v4 =	vtrunc.f32 v3;
	vm5 =	vlt.f32 v2, v5;
	v2 =	vtrunc.f32 v6  }
0xa8: {  	v11 =	vtrunc.f32 v1;
	v12 =	vtrunc.f32 v8;
	vm0 =	vlt.f32 v6, v2  }
.Ltmp8:
0xa9: {  	vm1 =	vlt.f32 v3, v4;
	v13 =	vtrunc.f32 v9;
	v14 =	vtrunc.f32 v10;
	(pc) =	sbr.rel @p0 .LBB2_15-.Ltmp8, $4  }
0xaa: {  	vm2 =	vlt.f32 v1, v11;
	v7 =	vcvt.f32.s32 v5;
	v5 =	vcvt.f32.s32 v2  }
0xab: {  	v3 =	vcvt.f32.s32 v11;
	vm3 =	vlt.f32 v8, v12;
	v6 =	vcvt.f32.s32 v4  }
0xac: {  	v1 =	vcvt.f32.s32 v13;
	vm4 =	vlt.f32 v9, v13;
	v4 =	vcvt.f32.s32 v12  }
0xad: {  	s19 =	sadd.s32 $0x100, s19;
	v8 =	vsel vm5, $0xFFFFFFFF, v0;
	v2 =	vcvt.f32.s32 v14;
	vm5 =	vlt.f32 v10, v14  }
0xae: {  	v9 =	vsel vm0, $0xFFFFFFFF, v0;
	v7 =	vadd.s32 v8, v7  }
0xaf: {  	v59 =	vsel vm1, $0xFFFFFFFF, v0;
	v5 =	vadd.s32 v9, v5;
	v7 =	vadd.s32 $0x80, v7  }
0xb0: {  	v60 =	vsel vm2, $0xFFFFFFFF, v0;
	v6 =	vadd.s32 v59, v6;
	v5 =	vadd.s32 $0x80, v5;
	[tilespmem:s17+$0xFFFFFF90] =	vst v7  }
0xb1: {  	v61 =	vsel vm3, $0xFFFFFFFF, v0;
	v3 =	vadd.s32 v60, v3;
	v6 =	vadd.s32 $0x80, v6;
	[tilespmem:s17+$0xFFFFFFA0] =	vst v5  }
0xb2: {  	v62 =	vsel vm4, $0xFFFFFFFF, v0;
	v4 =	vadd.s32 v61, v4;
	v3 =	vadd.s32 $0x80, v3;
	[tilespmem:s17+$0xFFFFFFB0] =	vst v6  }
0xb3: {  	v63 =	vsel vm5, $0xFFFFFFFF, v0;
	s18 =	sadd.s32 s4, s16;
	v1 =	vadd.s32 v62, v1;
	v4 =	vadd.s32 $0x80, v4;
	[tilespmem:s17+$0xFFFFFFC0] =	vst v3  }
0xb4: {  	v2 =	vadd.s32 v63, v2;
	s18 =	sshrl.u32 s18, $0x3;
	v1 =	vadd.s32 $0x80, v1;
	[tilespmem:s17+$0xFFFFFFD0] =	vst v4  }
0xb5: {  	s19 =	simm.s32 $0x8080;
	v2 =	vadd.s32 $0x80, v2;
	s18 =	sadd.s32 s5, s18;
	[tilespmem:s17+$0xFFFFFFE0] =	vst v1  }
0xb6: {  	s20 =	simm.s32 $0x8180;
	[tilespmem:s17+$0xFFFFFFF0] =	vst v2;
	s17 =	simm.s32 $0x10;
	s21 =	sadd.s32 $0x0, s18  }
.LBB2_17:
0xb7: {  	[hbm4b:s21+s3] =	stream.linear.scatter [tilespmem:s19], [sflag:$0x4], $0x80, $0x38;
	[tilespmem:$0x10000] =	vst v63  }
0xb8: {  	s21 =	smov.u32 s17;
	s19 =	smov.u32 s20;
	p0 =	sne.s32 s17, $0x7F0  }
.Ltmp9:
0xb9: {  	s17 =	sadd.s32 $0x10, s17;
	(pc) =	sbr.rel @p0 .LBB2_17-.Ltmp9, $2  }
0xba: {  	_ =	sdelay $0x2  }
0xbb: {  	s20 =	sadd.s32 $0x100, s20;
	s21 =	sadd.s32 s21, s18  }
.Ltmp10:
0xbc: {  	(pc) =	sbr.rel @p1 .LBB2_22-.Ltmp10, $2  }
0xbd: {  	_ =	sdelay $0x2  }
0xbe: {  	[hbm4b:s21+s3] =	stream.linear.scatter [tilespmem:s19], [sflag:$0x4], $0x80, $0x38;
	[tilespmem:$0x10000] =	vst v63  }
0xbf: {  	s16 =	sadd.s32 s16, s8  }
0xc0: {  	s16 =	sshrl.u32 s16, $0x3  }
0xc1: {  	s17 =	simm.s32 $0x80;
	s16 =	sadd.s32 s2, s16  }
0xc2: {  	s18 =	simm.s32 $0x10;
	s19 =	simm.s32 $0x180;
	s20 =	sadd.s32 $0x0, s16  }
.LBB2_20:
0xc3: {  	[tilespmem:s17], [sflag:$0x2] =	stream.linear.gather [hbm4b:s20+s3], $0x80, $0x38;
	[tilespmem:$0x10000] =	vst v63  }
0xc4: {  	s20 =	smov.u32 s18;
	s17 =	smov.u32 s19;
	p0 =	sne.s32 s18, $0x7F0  }
.Ltmp11:
0xc5: {  	s18 =	sadd.s32 $0x10, s18;
	(pc) =	sbr.rel @p0 .LBB2_20-.Ltmp11, $2  }
0xc6: {  	_ =	sdelay $0x2  }
0xc7: {  	s19 =	sadd.s32 $0x100, s19;
	s20 =	sadd.s32 s20, s16  }
.Ltmp12:
0xc8: {  	(pc) =	sbr.rel .LBB2_6-.Ltmp12, $3  }
0xc9: {  	_ =	sdelay $0x1  }
0xca: {  	[tilespmem:s17], [sflag:$0x2] =	stream.linear.gather [hbm4b:s20+s3], $0x80, $0x38;
	[tilespmem:$0x10000] =	vst v63  }
0xcb: {  	s15 =	sadd.s32 $0x1, s15  }
.LBB2_23:
0xcc: {  	_ =	sfence.sel $0x180000  }
0xcd: {  	[bflag:$0x0] =	sbarrier.arrive $0xFFFF  }
0xce: {  	p0 =	sne.s32 s0, $0x0;
	_ =	strace $0x90000047  }
0xcf: {  	s0 =	sadd.s32 @!p0 $0x100000, s1;
	[bflag:$0x2] =	sbarrier.arrive $0xFFFF  }
0xd0: {  	[sflag:s0] =	ssyncadd.tile.s32 @!p0 $0x1;
	_ =	shalt  }
.Lfunc_end2:
_tile_overlayer_lowered:
.L_overlay_start_2:
0xd1: {  	(tag) =	ssettag $0x2  }
0xd2: {  	s0 =	rddreg [dreg:$0x0];
	s2 =	stileid.u32  }
0xd3: {  	s1 =	rddreg [dreg:$0x1];
	p0 =	sne.s32 s2, $0x0  }
0xd4: {  	s3 =	rddreg [dreg:$0x2];
	[bflag:$0x3] =	sbarrier.arrive $0xFFFF;
	s2 =	simm.s32 @!p0 $0x1C05  }
0xd5: {  	[timem:s3], [sflag:s2] =	dma.local @!p0 [hbm:s0], s1  }
0xd6: {  	s0 =	simm.s32 @!p0 $0x5  }
0xd7: {  	_ =	swait.ge @!p0 [sflag:s0], s1  }
0xd8: {  	s1 =	ssub.s32 @!p0 $0x0, s1;
	[sflag:s0] =	ssyncset.done @!p0 $0x0  }
0xd9: {  	[sflag:s0] =	ssyncadd.s32 @!p0 s1  }
0xda: {  	[bflag:$0x3] =	sbarrier.arrive $0xFFFF  }
0xdb: {  	_ =	shalt  }

</sc_bundles>
